<compile_context>
chip_gen: v7x
topology: tpu7x:2x2x1
jax: 0.10.2.dev20260603
libtpu: 0.0.44.dev20260713+nightly
codegen_flags: <defaults>
</compile_context>

<pallas_src>
import functools

import jax
import jax.numpy as jnp
from jax.experimental import pallas as pl
from jax.experimental.pallas import tpu as pltpu
from jax.experimental.pallas import tpu_sc as plsc

_SCORE_THRESH = 0.05
_NMS_THRESH = 0.6
_PRE = 1000
_POST = 256
_CLAMP = 1e-4
_N = 1024
_BLK = 256


def _nms_body(vt_ref, v8_ref, out_ref, cu_ref):
    x1i = vt_ref[0:1, :]
    y1i = vt_ref[1:2, :]
    x2i = vt_ref[2:3, :]
    y2i = vt_ref[3:4, :]
    vali = vt_ref[4:5, :]
    area_i = (x2i - x1i) * (y2i - y1i)
    iidx = jax.lax.broadcasted_iota(jnp.int32, (_BLK, _N), 1)

    def fill_block(jb, carry):
        j0 = jb * _BLK
        bj = v8_ref[pl.ds(j0, _BLK), :]
        x1j = bj[:, 0:1]
        y1j = bj[:, 1:2]
        x2j = bj[:, 2:3]
        y2j = bj[:, 3:4]
        area_j = (x2j - x1j) * (y2j - y1j)
        xx1 = jnp.maximum(x1j, x1i)
        yy1 = jnp.maximum(y1j, y1i)
        xx2 = jnp.minimum(x2j, x2i)
        yy2 = jnp.minimum(y2j, y2i)
        w = jnp.maximum(xx2 - xx1, 0.0)
        h = jnp.maximum(yy2 - yy1, 0.0)
        inter = w * h
        union = area_j + area_i - inter
        iou = inter / jnp.maximum(union, 1e-6)
        jidx = j0 + jax.lax.broadcasted_iota(jnp.int32, (_BLK, _N), 0)
        cu = jnp.where((iou > _NMS_THRESH) & (jidx < iidx), 1.0, 0.0)
        cu_ref[pl.ds(j0, _BLK), :] = cu
        return carry

    jax.lax.fori_loop(0, _N // _BLK, fill_block, 0)

    cu = cu_ref[:]
    valid = jnp.where(vali > _SCORE_THRESH, 1.0, 0.0)

    def cond(c):
        return jnp.logical_not(c[1])

    def body(c):
        k, _ = c
        sup = jnp.dot(k, cu, preferred_element_type=jnp.float32)
        kn = jnp.where(sup > 0.0, 0.0, valid)
        return kn, jnp.all(kn == k)

    k, _ = jax.lax.while_loop(cond, body, (valid, jnp.array(False)))

    r = jax.lax.broadcasted_iota(jnp.int32, (_N, _N), 0)
    c = jax.lax.broadcasted_iota(jnp.int32, (_N, _N), 1)
    tri = jnp.where(r <= c, 1.0, 0.0)
    cumk = jnp.dot(k, tri, preferred_element_type=jnp.float32)
    pos = cumk - 1.0
    jout = jax.lax.broadcasted_iota(jnp.int32, (_POST, _N), 0).astype(jnp.float32)
    onehot = jnp.where((k > 0.0) & (pos == jout), 1.0, 0.0)
    cols = [
        jnp.sum(onehot * vt_ref[c : c + 1, :], axis=1, keepdims=True)
        for c in range(8)
    ]
    out_ref[:] = jnp.concatenate(cols, axis=1)


def _sc_gather_rows(table128, idx):
    info = plsc.get_sparse_core_info()
    nw = info.num_cores * info.num_subcores
    b_per_w = _N // nw
    mesh = plsc.VectorSubcoreMesh(core_axis_name="c", subcore_axis_name="s")

    @functools.partial(
        pl.kernel,
        mesh=mesh,
        out_type=jax.ShapeDtypeStruct((_N, 128), jnp.float32),
        scratch_types=[
            pltpu.VMEM((b_per_w,), jnp.int32),
            pltpu.VMEM((b_per_w, 128), jnp.float32),
            pltpu.SemaphoreType.DMA,
        ],
    )
    def gk(table_hbm, idx_hbm, out_hbm, idx_v, rows_v, sem):
        wid = jax.lax.axis_index("s") * info.num_cores + jax.lax.axis_index("c")
        base = wid * b_per_w
        pltpu.sync_copy(idx_hbm.at[pl.ds(base, b_per_w)], idx_v)
        pltpu.async_copy(table_hbm.at[idx_v], rows_v, sem).wait()
        pltpu.sync_copy(rows_v, out_hbm.at[pl.ds(base, b_per_w)])

    return gk(table128, idx)


def kernel(boxes, scores):
    probs = jax.nn.sigmoid(scores)
    probs = jnp.clip(probs, _CLAMP, 1.0 - _CLAMP)
    masked = jnp.where(probs > _SCORE_THRESH, probs, -1.0)
    top_vals, top_idx = jax.lax.top_k(masked, _PRE)
    table128 = jnp.pad(boxes, ((0, 0), (0, 124)))
    idx_pad = jnp.pad(top_idx, (0, _N - _PRE))
    gathered = _sc_gather_rows(table128, idx_pad)
    vals = jnp.pad(top_vals, (0, _N - _PRE), constant_values=-1.0)
    v8 = jnp.concatenate(
        [gathered[:, :4], vals[:, None], jnp.zeros((_N, 3), jnp.float32)], axis=1
    )
    vt = v8.T
    out8 = pl.pallas_call(
        _nms_body,
        out_shape=jax.ShapeDtypeStruct((_POST, 8), jnp.float32),
        scratch_shapes=[pltpu.VMEM((_N, _N), jnp.float32)],
    )(vt, v8)
    return out8[:, :5]

# --- scband reference (transcript-rebuilt; emitter-appended) ---
"""Pipeline reference for scband-center-net-68753836474735 (READ-ONLY COPY).

The authoritative reference and input builder live on the scoring server;
editing this copy changes nothing except your own understanding.
"""

import jax, jax.numpy as jnp
import numpy as np

SCORE_THRESH = 0.05
NMS_THRESH = 0.6
PRE_NMS_TOPK = 1000
POST_NMS_TOPK = 256
SIGMOID_CLAMP = 1e-4


def setup_inputs(seed: int = 0) -> dict:
    key = jax.random.key(seed)
    k1, k2 = jax.random.split(key, 2)
    # fill=rand for boxes: uniform, then shaped into valid x1y1x2y2 boxes
    u = jax.random.uniform(k1, (20000, 4), dtype=jnp.float32)
    x1y1 = u[:, :2] * 1000.0
    wh = u[:, 2:] * 200.0 + 1.0
    boxes = jnp.concatenate([x1y1, x1y1 + wh], axis=-1)
    # fill=randn for scores: raw heatmap logits (agnostic heatmap, only_proposal path)
    scores = jax.random.normal(k2, (20000,), dtype=jnp.float32)
    return {"boxes": boxes, "scores": scores}


def _iou_matrix(b):
    area = (b[:, 2] - b[:, 0]) * (b[:, 3] - b[:, 1])
    lt = jnp.maximum(b[:, None, :2], b[None, :, :2])
    rb = jnp.minimum(b[:, None, 2:], b[None, :, 2:])
    wh = jnp.clip(rb - lt, 0.0)
    inter = wh[..., 0] * wh[..., 1]
    union = area[:, None] + area[None, :] - inter
    return inter / jnp.maximum(union, 1e-6)


def _nms_keep(iou, valid, thresh):
    # Greedy NMS over score-sorted candidates (rows already sorted by score desc).
    K = iou.shape[0]
    idx = jnp.arange(K)
    def body(i, keep):
        sup = (iou[i] > thresh) & (idx > i) & keep[i]
        return keep & (~sup)
    return jax.lax.fori_loop(0, K, body, valid)


def reference(boxes, scores):
    # CenterNet inference path: sigmoid + clamp on heatmap logits,
    # score threshold, pre-NMS top-k, batched NMS, post-NMS top-k.
    probs = jax.nn.sigmoid(scores)
    probs = jnp.clip(probs, SIGMOID_CLAMP, 1.0 - SIGMOID_CLAMP)
    valid = probs > SCORE_THRESH
    masked = jnp.where(valid, probs, -1.0)
    top_vals, top_idx = jax.lax.top_k(masked, PRE_NMS_TOPK)
    top_boxes = boxes[top_idx]
    top_valid = top_vals > SCORE_THRESH
    iou = _iou_matrix(top_boxes)
    keep = _nms_keep(iou, top_valid, NMS_THRESH)
    kept_scores = jnp.where(keep, top_vals, -1.0)
    post_vals, post_idx = jax.lax.top_k(kept_scores, POST_NMS_TOPK)
    out_boxes = top_boxes[post_idx]
    mask = (post_vals > 0.0).astype(jnp.float32)
    out = jnp.concatenate([out_boxes * mask[:, None], (post_vals * mask)[:, None]], axis=-1)
    return out

if __name__ == "__main__":
    import jax
    _d = setup_inputs()
    print(jax.jit(kernel)(*tuple(_d.values())))

</pallas_src>

<mosaic_0001>
#map = affine_map<(d0, d1) -> (0, 0)>
#map1 = affine_map<(d0, d1) -> (0)>
module attributes {stable_mosaic.version = 14 : i64} {
  func.func @gk(%arg0: i32, %arg1: i32, %arg2: memref<20000x128xf32, #tpu.memory_space<hbm>>, %arg3: memref<1024xi32, #tpu.memory_space<hbm>>, %arg4: memref<1024x128xf32, #tpu.memory_space<hbm>>, %arg5: memref<32xi32, #tpu.memory_space<vmem>>, %arg6: memref<32x128xf32, #tpu.memory_space<vmem>>, %arg7: memref<!tpu.dma_semaphore, #tpu.memory_space<semaphore_mem>>) attributes {dimension_semantics = [#tpu.dimension_semantics<core_parallel>, #tpu.dimension_semantics<subcore_parallel>], iteration_bounds = array<i64: 2, 16>, scalar_prefetch = 0 : i64, scratch_operands = 3 : i64, tpu.core_type = #tpu.core_type<sc_vector_subcore>, window_params = [{transform_indices = #map}, {transform_indices = #map1}, {transform_indices = #map}]} {
    %mul3A = arith.constant 2 : i32
    %mul3A_0 = arith.muli %arg1, %mul3A : i32
    %add3A = arith.addi %mul3A_0, %arg0 : i32
    %mul3A_1 = arith.constant 32 : i32
    %mul3A_2 = arith.muli %add3A, %mul3A_1 : i32
    "tpu.region"() ({
      %run_scoped3A = tpu.sem_alloc : memref<!tpu.dma_semaphore, #tpu.memory_space<semaphore_mem>>
      %dma_start3A_7 = tpu.memref_slice %arg3[%mul3A_2] : memref<1024xi32, #tpu.memory_space<hbm>> -> memref<32xi32, #tpu.memory_space<hbm>>
      %dma_start3A_8 = tpu.memref_slice %arg3[%mul3A_2] : memref<1024xi32, #tpu.memory_space<hbm>> -> memref<32xi32, #tpu.memory_space<hbm>>
      tpu.enqueue_dma source(%dma_start3A_8 : memref<32xi32, #tpu.memory_space<hbm>>) target(%arg5 : memref<32xi32, #tpu.memory_space<vmem>>) target_semaphore(%run_scoped3A : memref<!tpu.dma_semaphore, #tpu.memory_space<semaphore_mem>>)
      %dma_wait3A_9 = tpu.memref_slice %arg3[%mul3A_2] : memref<1024xi32, #tpu.memory_space<hbm>> -> memref<32xi32, #tpu.memory_space<hbm>>
      %dma_wait3A_10 = tpu.memref_slice %arg3[%mul3A_2] : memref<1024xi32, #tpu.memory_space<hbm>> -> memref<32xi32, #tpu.memory_space<hbm>>
      tpu.wait_dma2 semaphore(%run_scoped3A : memref<!tpu.dma_semaphore, #tpu.memory_space<semaphore_mem>>) src(%dma_wait3A_10 : memref<32xi32, #tpu.memory_space<hbm>>) dst(%arg5 : memref<32xi32, #tpu.memory_space<vmem>>)
      tpu.yield
    }) : () -> ()
    %dma_start3A = arith.constant 0 : i32
    %dma_start3A_3 = arith.constant 0 : i32
    %dma_start3A_4 = tpu.memref_slice %arg2[%dma_start3A, %dma_start3A_3] : memref<20000x128xf32, #tpu.memory_space<hbm>> -> memref<20000x128xf32, #tpu.memory_space<hbm>>
    tpu.enqueue_indirect_dma source(%dma_start3A_4 : memref<20000x128xf32, #tpu.memory_space<hbm>>) target(%arg6 : memref<32x128xf32, #tpu.memory_space<vmem>>) offsets(%arg5 : memref<32xi32, #tpu.memory_space<vmem>>) semaphore(%arg7 : memref<!tpu.dma_semaphore, #tpu.memory_space<semaphore_mem>>)
    %dma_wait3A = arith.constant 0 : i32
    %dma_wait3A_5 = arith.constant 0 : i32
    %dma_wait3A_6 = tpu.memref_slice %arg2[%dma_wait3A, %dma_wait3A_5] : memref<20000x128xf32, #tpu.memory_space<hbm>> -> memref<20000x128xf32, #tpu.memory_space<hbm>>
    tpu.wait_indirect_dma semaphore(%arg7 : memref<!tpu.dma_semaphore, #tpu.memory_space<semaphore_mem>>) src(%dma_wait3A_6 : memref<20000x128xf32, #tpu.memory_space<hbm>>) dst(%arg6 : memref<32x128xf32, #tpu.memory_space<vmem>>)
    "tpu.region"() ({
      %run_scoped3A = tpu.sem_alloc : memref<!tpu.dma_semaphore, #tpu.memory_space<semaphore_mem>>
      %dma_start3A_7 = arith.constant 0 : i32
      %dma_start3A_8 = tpu.memref_slice %arg4[%mul3A_2, %dma_start3A_7] : memref<1024x128xf32, #tpu.memory_space<hbm>> -> memref<32x128xf32, #tpu.memory_space<hbm>>
      %dma_start3A_9 = arith.constant 0 : i32
      %dma_start3A_10 = tpu.memref_slice %arg4[%mul3A_2, %dma_start3A_9] : memref<1024x128xf32, #tpu.memory_space<hbm>> -> memref<32x128xf32, #tpu.memory_space<hbm>>
      tpu.enqueue_dma source(%arg6 : memref<32x128xf32, #tpu.memory_space<vmem>>) target(%dma_start3A_10 : memref<32x128xf32, #tpu.memory_space<hbm>>) target_semaphore(%run_scoped3A : memref<!tpu.dma_semaphore, #tpu.memory_space<semaphore_mem>>)
      %dma_wait3A_11 = arith.constant 0 : i32
      %dma_wait3A_12 = tpu.memref_slice %arg4[%mul3A_2, %dma_wait3A_11] : memref<1024x128xf32, #tpu.memory_space<hbm>> -> memref<32x128xf32, #tpu.memory_space<hbm>>
      %dma_wait3A_13 = arith.constant 0 : i32
      %dma_wait3A_14 = tpu.memref_slice %arg4[%mul3A_2, %dma_wait3A_13] : memref<1024x128xf32, #tpu.memory_space<hbm>> -> memref<32x128xf32, #tpu.memory_space<hbm>>
      tpu.wait_dma2 semaphore(%run_scoped3A : memref<!tpu.dma_semaphore, #tpu.memory_space<semaphore_mem>>) src(%arg6 : memref<32x128xf32, #tpu.memory_space<vmem>>) dst(%dma_wait3A_14 : memref<32x128xf32, #tpu.memory_space<hbm>>)
      tpu.yield
    }) : () -> ()
    return
  }
}

module attributes {stable_mosaic.version = 14 : i64} {
  func.func @_nms_body(%arg0: memref<8x1024xf32, #tpu.memory_space<vmem>>, %arg1: memref<1024x8xf32, #tpu.memory_space<vmem>>, %arg2: memref<256x8xf32, #tpu.memory_space<vmem>>, %arg3: memref<1024x1024xf32, #tpu.memory_space<vmem>>) attributes {dimension_semantics = [], scalar_prefetch = 0 : i64, scratch_operands = 1 : i64, tpu.core_type = #tpu.core_type<tc>} {
    %get3A = arith.constant 0 : index
    %get3A_0 = arith.constant 0 : index
    %get3A_1 = vector.load %arg0[%get3A, %get3A_0] : memref<8x1024xf32, #tpu.memory_space<vmem>>, vector<1x1024xf32>
    %get3A_2 = arith.constant 1 : index
    %get3A_3 = arith.constant 0 : index
    %get3A_4 = vector.load %arg0[%get3A_2, %get3A_3] : memref<8x1024xf32, #tpu.memory_space<vmem>>, vector<1x1024xf32>
    %get3A_5 = arith.constant 2 : index
    %get3A_6 = arith.constant 0 : index
    %get3A_7 = vector.load %arg0[%get3A_5, %get3A_6] : memref<8x1024xf32, #tpu.memory_space<vmem>>, vector<1x1024xf32>
    %get3A_8 = arith.constant 3 : index
    %get3A_9 = arith.constant 0 : index
    %get3A_10 = vector.load %arg0[%get3A_8, %get3A_9] : memref<8x1024xf32, #tpu.memory_space<vmem>>, vector<1x1024xf32>
    %get3A_11 = arith.constant 4 : index
    %get3A_12 = arith.constant 0 : index
    %get3A_13 = vector.load %arg0[%get3A_11, %get3A_12] : memref<8x1024xf32, #tpu.memory_space<vmem>>, vector<1x1024xf32>
    %sub3A = arith.subf %get3A_7, %get3A_1 : vector<1x1024xf32>
    %sub3A_14 = arith.subf %get3A_10, %get3A_4 : vector<1x1024xf32>
    %mul3A = arith.mulf %sub3A, %sub3A_14 : vector<1x1024xf32>
    %iota3A = tpu.iota {dimensions = array<i32: 1>} : vector<256x1024xi32>
    %scan3A = arith.constant 0 : i32
    %scan3A_15 = arith.constant 4 : i32
    %scan3A_16 = arith.addi %scan3A, %scan3A_15 : i32
    %scan3A_17 = arith.constant 1 : i32
    scf.for %scan3A_114 = %scan3A to %scan3A_16 step %scan3A_17  : i32 {
      %mul3A_115 = arith.constant 256 : i32
      %mul3A_116 = arith.muli %scan3A_114, %mul3A_115 : i32
      %get3A_117 = arith.index_cast %mul3A_116 : i32 to index
      %get3A_118 = arith.constant 0 : index
      %get3A_119 = vector.load %arg1[%get3A_117, %get3A_118] : memref<1024x8xf32, #tpu.memory_space<vmem>>, vector<256x8xf32>
      %slice3A = vector.extract_strided_slice %get3A_119 {offsets = [0, 0], sizes = [256, 1], strides = [1, 1]} : vector<256x8xf32> to vector<256x1xf32>
      %slice3A_120 = vector.extract_strided_slice %get3A_119 {offsets = [0, 1], sizes = [256, 1], strides = [1, 1]} : vector<256x8xf32> to vector<256x1xf32>
      %slice3A_121 = vector.extract_strided_slice %get3A_119 {offsets = [0, 2], sizes = [256, 1], strides = [1, 1]} : vector<256x8xf32> to vector<256x1xf32>
      %slice3A_122 = vector.extract_strided_slice %get3A_119 {offsets = [0, 3], sizes = [256, 1], strides = [1, 1]} : vector<256x8xf32> to vector<256x1xf32>
      %sub3A_123 = arith.subf %slice3A_121, %slice3A : vector<256x1xf32>
      %sub3A_124 = arith.subf %slice3A_122, %slice3A_120 : vector<256x1xf32>
      %mul3A_125 = arith.mulf %sub3A_123, %sub3A_124 : vector<256x1xf32>
      %max3A = vector.broadcast %slice3A : vector<256x1xf32> to vector<256x1024xf32>
      %max3A_126 = vector.broadcast %get3A_1 : vector<1x1024xf32> to vector<256x1024xf32>
      %max3A_127 = arith.maximumf %max3A, %max3A_126 : vector<256x1024xf32>
      %max3A_128 = vector.broadcast %slice3A_120 : vector<256x1xf32> to vector<256x1024xf32>
      %max3A_129 = vector.broadcast %get3A_4 : vector<1x1024xf32> to vector<256x1024xf32>
      %max3A_130 = arith.maximumf %max3A_128, %max3A_129 : vector<256x1024xf32>
      %min3A = vector.broadcast %slice3A_121 : vector<256x1xf32> to vector<256x1024xf32>
      %min3A_131 = vector.broadcast %get3A_7 : vector<1x1024xf32> to vector<256x1024xf32>
      %min3A_132 = arith.minimumf %min3A, %min3A_131 : vector<256x1024xf32>
      %min3A_133 = vector.broadcast %slice3A_122 : vector<256x1xf32> to vector<256x1024xf32>
      %min3A_134 = vector.broadcast %get3A_10 : vector<1x1024xf32> to vector<256x1024xf32>
      %min3A_135 = arith.minimumf %min3A_133, %min3A_134 : vector<256x1024xf32>
      %sub3A_136 = arith.subf %min3A_132, %max3A_127 : vector<256x1024xf32>
      %max3A_137 = arith.constant 0.000000e+00 : f32
      %max3A_138 = vector.broadcast %max3A_137 : f32 to vector<256x1024xf32>
      %max3A_139 = arith.maximumf %sub3A_136, %max3A_138 : vector<256x1024xf32>
      %sub3A_140 = arith.subf %min3A_135, %max3A_130 : vector<256x1024xf32>
      %max3A_141 = arith.constant 0.000000e+00 : f32
      %max3A_142 = vector.broadcast %max3A_141 : f32 to vector<256x1024xf32>
      %max3A_143 = arith.maximumf %sub3A_140, %max3A_142 : vector<256x1024xf32>
      %mul3A_144 = arith.mulf %max3A_139, %max3A_143 : vector<256x1024xf32>
      %add3A = vector.broadcast %mul3A_125 : vector<256x1xf32> to vector<256x1024xf32>
      %add3A_145 = vector.broadcast %mul3A : vector<1x1024xf32> to vector<256x1024xf32>
      %add3A_146 = arith.addf %add3A, %add3A_145 : vector<256x1024xf32>
      %sub3A_147 = arith.subf %add3A_146, %mul3A_144 : vector<256x1024xf32>
      %max3A_148 = arith.constant 9.99999997E-7 : f32
      %max3A_149 = vector.broadcast %max3A_148 : f32 to vector<256x1024xf32>
      %max3A_150 = arith.maximumf %sub3A_147, %max3A_149 : vector<256x1024xf32>
      %div3A = arith.divf %mul3A_144, %max3A_150 : vector<256x1024xf32>
      %iota3A_151 = tpu.iota {dimensions = array<i32: 0>} : vector<256x1024xi32>
      %add3A_152 = vector.broadcast %mul3A_116 : i32 to vector<256x1024xi32>
      %add3A_153 = arith.addi %add3A_152, %iota3A_151 : vector<256x1024xi32>
      %gt3A_154 = arith.constant 6.000000e-01 : f32
      %gt3A_155 = vector.broadcast %gt3A_154 : f32 to vector<256x1024xf32>
      %gt3A_156 = arith.cmpf ogt, %div3A, %gt3A_155 : vector<256x1024xf32>
      %lt3A = arith.cmpi slt, %add3A_153, %iota3A : vector<256x1024xi32>
      %and3A_157 = arith.andi %gt3A_156, %lt3A : vector<256x1024xi1>
      %jit3A_158 = arith.constant 1.000000e+00 : f32
      %jit3A_159 = arith.constant 0.000000e+00 : f32
      %broadcast_in_dim3A_160 = vector.broadcast %jit3A_158 : f32 to vector<256x1024xf32>
      %broadcast_in_dim3A_161 = vector.broadcast %jit3A_159 : f32 to vector<256x1024xf32>
      %select_n3A_162 = arith.select %and3A_157, %broadcast_in_dim3A_160, %broadcast_in_dim3A_161 : vector<256x1024xi1>, vector<256x1024xf32>
      %swap3A_163 = arith.index_cast %mul3A_116 : i32 to index
      %swap3A_164 = arith.constant 0 : index
      %swap3A_165 = vector.load %arg3[%swap3A_163, %swap3A_164] : memref<1024x1024xf32, #tpu.memory_space<vmem>>, vector<256x1024xf32>
      tpu.vector_store %arg3[%swap3A_163, %swap3A_164], %select_n3A_162 {strides = array<i32>} : memref<1024x1024xf32, #tpu.memory_space<vmem>>, vector<256x1024xf32>,
    }
    %scan3A_18 = arith.constant 4 : i32
    %get3A_19 = arith.constant 0 : index
    %get3A_20 = arith.constant 0 : index
    %get3A_21 = vector.load %arg3[%get3A_19, %get3A_20] : memref<1024x1024xf32, #tpu.memory_space<vmem>>, vector<1024x1024xf32>
    %gt3A = arith.constant 5.000000e-02 : f32
    %gt3A_22 = vector.broadcast %gt3A : f32 to vector<1x1024xf32>
    %gt3A_23 = arith.cmpf ogt, %get3A_13, %gt3A_22 : vector<1x1024xf32>
    %jit3A = arith.constant 1.000000e+00 : f32
    %jit3A_24 = arith.constant 0.000000e+00 : f32
    %broadcast_in_dim3A = vector.broadcast %jit3A : f32 to vector<1x1024xf32>
    %broadcast_in_dim3A_25 = vector.broadcast %jit3A_24 : f32 to vector<1x1024xf32>
    %select_n3A = arith.select %gt3A_23, %broadcast_in_dim3A, %broadcast_in_dim3A_25 : vector<1x1024xi1>, vector<1x1024xf32>
    %while3A = arith.constant false
    %while3A_26:2 = scf.while (%while3A_114 = %select_n3A, %while3A_115 = %while3A) : (vector<1x1024xf32>, i1) -> (vector<1x1024xf32>, i1) {
      %not3A = arith.constant true
      %not3A_116 = arith.xori %while3A_115, %not3A : i1
      scf.condition(%not3A_116) %while3A_114, %while3A_115 : vector<1x1024xf32>, i1
    } do {
    ^bb0(%while3A_114: vector<1x1024xf32>, %while3A_115: i1):
      %dot_general3A_116 = arith.constant dense<0.000000e+00> : vector<1x1024xf32>
      %dot_general3A_117 = tpu.matmul %while3A_114, %get3A_21, %dot_general3A_116 {dimension_numbers = #tpu.dot_dimension_numbers<[1], [0], [0], [1], [0, 0, 1, 1], [], []>, transpose_lhs_hint = false} : vector<1x1024xf32>, vector<1024x1024xf32>, vector<1x1024xf32> -> vector<1x1024xf32>
      %gt3A_118 = arith.constant 0.000000e+00 : f32
      %gt3A_119 = vector.broadcast %gt3A_118 : f32 to vector<1x1024xf32>
      %gt3A_120 = arith.cmpf ogt, %dot_general3A_117, %gt3A_119 : vector<1x1024xf32>
      %jit3A_121 = arith.constant 0.000000e+00 : f32
      %broadcast_in_dim3A_122 = vector.broadcast %jit3A_121 : f32 to vector<1x1024xf32>
      %select_n3A_123 = arith.select %gt3A_120, %broadcast_in_dim3A_122, %select_n3A : vector<1x1024xi1>, vector<1x1024xf32>
      %eq3A_124 = arith.cmpf oeq, %select_n3A_123, %while3A_114 : vector<1x1024xf32>
      %reduce_and3A = arith.constant 1.000000e+00 : f32
      %reduce_and3A_125 = arith.constant 0.000000e+00 : f32
      %reduce_and3A_126 = vector.broadcast %reduce_and3A : f32 to vector<1x1024xf32>
      %reduce_and3A_127 = vector.broadcast %reduce_and3A_125 : f32 to vector<1x1024xf32>
      %reduce_and3A_128 = arith.select %eq3A_124, %reduce_and3A_126, %reduce_and3A_127 : vector<1x1024xi1>, vector<1x1024xf32>
      %reduce_and3A_129 = vector.shape_cast %reduce_and3A_128 : vector<1x1024xf32> to vector<1x1x1024xf32>
      %reduce_and3A_130 = arith.constant dense<0x7F800000> : vector<1xf32>
      %reduce_and3A_131 = vector.multi_reduction <minimumf>, %reduce_and3A_129, %reduce_and3A_130 [1, 2] : vector<1x1x1024xf32> to vector<1xf32>
      %reduce_and3A_132 = vector.shape_cast %reduce_and3A_131 : vector<1xf32> to vector<1x1x1xf32>
      %reduce_and3A_133 = vector.extract %reduce_and3A_132[0, 0, 0] : f32 from vector<1x1x1xf32>
      %reduce_and3A_134 = arith.constant 0.000000e+00 : f32
      %reduce_and3A_135 = arith.cmpf ogt, %reduce_and3A_133, %reduce_and3A_134 : f32
      scf.yield %select_n3A_123, %reduce_and3A_135 : vector<1x1024xf32>, i1
    }
    %iota3A_27 = tpu.iota {dimensions = array<i32: 0>} : vector<1024x1024xi32>
    %iota3A_28 = tpu.iota {dimensions = array<i32: 1>} : vector<1024x1024xi32>
    %le3A = arith.cmpi sle, %iota3A_27, %iota3A_28 : vector<1024x1024xi32>
    %jit3A_29 = arith.constant 1.000000e+00 : f32
    %jit3A_30 = arith.constant 0.000000e+00 : f32
    %broadcast_in_dim3A_31 = vector.broadcast %jit3A_29 : f32 to vector<1024x1024xf32>
    %broadcast_in_dim3A_32 = vector.broadcast %jit3A_30 : f32 to vector<1024x1024xf32>
    %select_n3A_33 = arith.select %le3A, %broadcast_in_dim3A_31, %broadcast_in_dim3A_32 : vector<1024x1024xi1>, vector<1024x1024xf32>
    %dot_general3A = arith.constant dense<0.000000e+00> : vector<1x1024xf32>
    %dot_general3A_34 = tpu.matmul %while3A_26#0, %select_n3A_33, %dot_general3A {dimension_numbers = #tpu.dot_dimension_numbers<[1], [0], [0], [1], [0, 0, 1, 1], [], []>, transpose_lhs_hint = false} : vector<1x1024xf32>, vector<1024x1024xf32>, vector<1x1024xf32> -> vector<1x1024xf32>
    %sub3A_35 = arith.constant 1.000000e+00 : f32
    %sub3A_36 = vector.broadcast %sub3A_35 : f32 to vector<1x1024xf32>
    %sub3A_37 = arith.subf %dot_general3A_34, %sub3A_36 : vector<1x1024xf32>
    %iota3A_38 = tpu.iota {dimensions = array<i32: 0>} : vector<256x1024xi32>
    %convert_element_type3A = arith.sitofp %iota3A_38 : vector<256x1024xi32> to vector<256x1024xf32>
    %gt3A_39 = arith.constant 0.000000e+00 : f32
    %gt3A_40 = vector.broadcast %gt3A_39 : f32 to vector<1x1024xf32>
    %gt3A_41 = arith.cmpf ogt, %while3A_26#0, %gt3A_40 : vector<1x1024xf32>
    %eq3A = vector.broadcast %sub3A_37 : vector<1x1024xf32> to vector<256x1024xf32>
    %eq3A_42 = arith.cmpf oeq, %eq3A, %convert_element_type3A : vector<256x1024xf32>
    %and3A = vector.broadcast %gt3A_41 : vector<1x1024xi1> to vector<256x1024xi1>
    %and3A_43 = arith.andi %and3A, %eq3A_42 : vector<256x1024xi1>
    %jit3A_44 = arith.constant 1.000000e+00 : f32
    %jit3A_45 = arith.constant 0.000000e+00 : f32
    %broadcast_in_dim3A_46 = vector.broadcast %jit3A_44 : f32 to vector<256x1024xf32>
    %broadcast_in_dim3A_47 = vector.broadcast %jit3A_45 : f32 to vector<256x1024xf32>
    %select_n3A_48 = arith.select %and3A_43, %broadcast_in_dim3A_46, %broadcast_in_dim3A_47 : vector<256x1024xi1>, vector<256x1024xf32>
    %get3A_49 = arith.constant 0 : index
    %get3A_50 = arith.constant 0 : index
    %get3A_51 = vector.load %arg0[%get3A_49, %get3A_50] : memref<8x1024xf32, #tpu.memory_space<vmem>>, vector<1x1024xf32>
    %mul3A_52 = vector.broadcast %get3A_51 : vector<1x1024xf32> to vector<256x1024xf32>
    %mul3A_53 = arith.mulf %select_n3A_48, %mul3A_52 : vector<256x1024xf32>
    %reduce_sum3A = arith.constant dense<0.000000e+00> : vector<256xf32>
    %reduce_sum3A_54 = vector.multi_reduction <add>, %mul3A_53, %reduce_sum3A [1] : vector<256x1024xf32> to vector<256xf32>
    %broadcast_in_dim3A_55 = vector.shape_cast %reduce_sum3A_54 : vector<256xf32> to vector<256x1xf32>
    %get3A_56 = arith.constant 1 : index
    %get3A_57 = arith.constant 0 : index
    %get3A_58 = vector.load %arg0[%get3A_56, %get3A_57] : memref<8x1024xf32, #tpu.memory_space<vmem>>, vector<1x1024xf32>
    %mul3A_59 = vector.broadcast %get3A_58 : vector<1x1024xf32> to vector<256x1024xf32>
    %mul3A_60 = arith.mulf %select_n3A_48, %mul3A_59 : vector<256x1024xf32>
    %reduce_sum3A_61 = arith.constant dense<0.000000e+00> : vector<256xf32>
    %reduce_sum3A_62 = vector.multi_reduction <add>, %mul3A_60, %reduce_sum3A_61 [1] : vector<256x1024xf32> to vector<256xf32>
    %broadcast_in_dim3A_63 = vector.shape_cast %reduce_sum3A_62 : vector<256xf32> to vector<256x1xf32>
    %get3A_64 = arith.constant 2 : index
    %get3A_65 = arith.constant 0 : index
    %get3A_66 = vector.load %arg0[%get3A_64, %get3A_65] : memref<8x1024xf32, #tpu.memory_space<vmem>>, vector<1x1024xf32>
    %mul3A_67 = vector.broadcast %get3A_66 : vector<1x1024xf32> to vector<256x1024xf32>
    %mul3A_68 = arith.mulf %select_n3A_48, %mul3A_67 : vector<256x1024xf32>
    %reduce_sum3A_69 = arith.constant dense<0.000000e+00> : vector<256xf32>
    %reduce_sum3A_70 = vector.multi_reduction <add>, %mul3A_68, %reduce_sum3A_69 [1] : vector<256x1024xf32> to vector<256xf32>
    %broadcast_in_dim3A_71 = vector.shape_cast %reduce_sum3A_70 : vector<256xf32> to vector<256x1xf32>
    %get3A_72 = arith.constant 3 : index
    %get3A_73 = arith.constant 0 : index
    %get3A_74 = vector.load %arg0[%get3A_72, %get3A_73] : memref<8x1024xf32, #tpu.memory_space<vmem>>, vector<1x1024xf32>
    %mul3A_75 = vector.broadcast %get3A_74 : vector<1x1024xf32> to vector<256x1024xf32>
    %mul3A_76 = arith.mulf %select_n3A_48, %mul3A_75 : vector<256x1024xf32>
    %reduce_sum3A_77 = arith.constant dense<0.000000e+00> : vector<256xf32>
    %reduce_sum3A_78 = vector.multi_reduction <add>, %mul3A_76, %reduce_sum3A_77 [1] : vector<256x1024xf32> to vector<256xf32>
    %broadcast_in_dim3A_79 = vector.shape_cast %reduce_sum3A_78 : vector<256xf32> to vector<256x1xf32>
    %get3A_80 = arith.constant 4 : index
    %get3A_81 = arith.constant 0 : index
    %get3A_82 = vector.load %arg0[%get3A_80, %get3A_81] : memref<8x1024xf32, #tpu.memory_space<vmem>>, vector<1x1024xf32>
    %mul3A_83 = vector.broadcast %get3A_82 : vector<1x1024xf32> to vector<256x1024xf32>
    %mul3A_84 = arith.mulf %select_n3A_48, %mul3A_83 : vector<256x1024xf32>
    %reduce_sum3A_85 = arith.constant dense<0.000000e+00> : vector<256xf32>
    %reduce_sum3A_86 = vector.multi_reduction <add>, %mul3A_84, %reduce_sum3A_85 [1] : vector<256x1024xf32> to vector<256xf32>
    %broadcast_in_dim3A_87 = vector.shape_cast %reduce_sum3A_86 : vector<256xf32> to vector<256x1xf32>
    %get3A_88 = arith.constant 5 : index
    %get3A_89 = arith.constant 0 : index
    %get3A_90 = vector.load %arg0[%get3A_88, %get3A_89] : memref<8x1024xf32, #tpu.memory_space<vmem>>, vector<1x1024xf32>
    %mul3A_91 = vector.broadcast %get3A_90 : vector<1x1024xf32> to vector<256x1024xf32>
    %mul3A_92 = arith.mulf %select_n3A_48, %mul3A_91 : vector<256x1024xf32>
    %reduce_sum3A_93 = arith.constant dense<0.000000e+00> : vector<256xf32>
    %reduce_sum3A_94 = vector.multi_reduction <add>, %mul3A_92, %reduce_sum3A_93 [1] : vector<256x1024xf32> to vector<256xf32>
    %broadcast_in_dim3A_95 = vector.shape_cast %reduce_sum3A_94 : vector<256xf32> to vector<256x1xf32>
    %get3A_96 = arith.constant 6 : index
    %get3A_97 = arith.constant 0 : index
    %get3A_98 = vector.load %arg0[%get3A_96, %get3A_97] : memref<8x1024xf32, #tpu.memory_space<vmem>>, vector<1x1024xf32>
    %mul3A_99 = vector.broadcast %get3A_98 : vector<1x1024xf32> to vector<256x1024xf32>
    %mul3A_100 = arith.mulf %select_n3A_48, %mul3A_99 : vector<256x1024xf32>
    %reduce_sum3A_101 = arith.constant dense<0.000000e+00> : vector<256xf32>
    %reduce_sum3A_102 = vector.multi_reduction <add>, %mul3A_100, %reduce_sum3A_101 [1] : vector<256x1024xf32> to vector<256xf32>
    %broadcast_in_dim3A_103 = vector.shape_cast %reduce_sum3A_102 : vector<256xf32> to vector<256x1xf32>
    %get3A_104 = arith.constant 7 : index
    %get3A_105 = arith.constant 0 : index
    %get3A_106 = vector.load %arg0[%get3A_104, %get3A_105] : memref<8x1024xf32, #tpu.memory_space<vmem>>, vector<1x1024xf32>
    %mul3A_107 = vector.broadcast %get3A_106 : vector<1x1024xf32> to vector<256x1024xf32>
    %mul3A_108 = arith.mulf %select_n3A_48, %mul3A_107 : vector<256x1024xf32>
    %reduce_sum3A_109 = arith.constant dense<0.000000e+00> : vector<256xf32>
    %reduce_sum3A_110 = vector.multi_reduction <add>, %mul3A_108, %reduce_sum3A_109 [1] : vector<256x1024xf32> to vector<256xf32>
    %broadcast_in_dim3A_111 = vector.shape_cast %reduce_sum3A_110 : vector<256xf32> to vector<256x1xf32>
    %concatenate3A = tpu.concatenate %broadcast_in_dim3A_55, %broadcast_in_dim3A_63, %broadcast_in_dim3A_71, %broadcast_in_dim3A_79, %broadcast_in_dim3A_87, %broadcast_in_dim3A_95, %broadcast_in_dim3A_103, %broadcast_in_dim3A_111 in 1 : vector<256x1xf32>, vector<256x1xf32>, vector<256x1xf32>, vector<256x1xf32>, vector<256x1xf32>, vector<256x1xf32>, vector<256x1xf32>, vector<256x1xf32> -> vector<256x8xf32>
    %swap3A = arith.constant 0 : index
    %swap3A_112 = arith.constant 0 : index
    %swap3A_113 = vector.load %arg2[%swap3A, %swap3A_112] : memref<256x8xf32, #tpu.memory_space<vmem>>, vector<256x8xf32>
    tpu.vector_store %arg2[%swap3A, %swap3A_112], %concatenate3A {strides = array<i32>} : memref<256x8xf32, #tpu.memory_space<vmem>>, vector<256x8xf32>,
    return
  }
}

</mosaic_0001>

<sc_bundles>
// kernel: kernel.4.cloned.1.call-start
scs
__scs_entry_jumppad:
0x0: {  	(pc) =	sbr.rel $0x88, $3  }
0x1: {  	(tag) =	ssettag $0x0;
	lr =	simm.s32 $0x1  }
0x2: {  	[smem:$0x3F9F] =	sst lr;
	_ =	strace $0xD0000000  }
0x3: {  	_ = 	snop  }
0x4: {  	_ = 	snop  }
0x5: {  	_ = 	snop  }
0x6: {  	_ = 	snop  }
0x7: {  	_ = 	snop  }
__scs_overlays_trampoline_lowered:
0x8: {  	[smem:$0x3FAE] =	sst s0  }
0x9: {  	[smem:$0x3FAF] =	sst s1  }
0xa: {  	[smem:$0x3FB0] =	sst s2  }
0xb: {  	[smem:$0x3FB1] =	sst s3  }
0xc: {  	[smem:$0x3FB2] =	sst s4  }
0xd: {  	[smem:$0x3FB3] =	sst s5  }
0xe: {  	[smem:$0x3FB4] =	sst s6  }
0xf: {  	[smem:$0x3FB5] =	sst s7  }
0x10: {  	[smem:$0x3FB6] =	sst s8  }
0x11: {  	[smem:$0x3FB7] =	sst s9;
	s0 =	simm.s32 @!p0 $0x0  }
0x12: {  	s1 =	sld [smem:$0x3F9D];
	s0 =	simm.s32 @p0 $0x1  }
0x13: {  	[smem:$0x3FB8] =	sst s0;
	s0 =	simm.s32 @!p1 $0x0  }
0x14: {  	s2 =	sld [smem:$0x3F9C];
	s0 =	simm.s32 @p1 $0x1  }
0x15: {  	[smem:$0x3FB9] =	sst s0;
	s0 =	simm.s32 @!p2 $0x0  }
0x16: {  	s3 =	sld [smem:$0x3FDB];
	s0 =	simm.s32 @p2 $0x1  }
0x17: {  	s4 =	simm.s32 $0x1BF5;
	[smem:$0x3FBB] =	sst s0  }
0x18: {  	s0 =	sld [smem:$0x3F9E];
	_ =	swait.ge [sflag:s4], $0x0  }
0x19: {  	s7 =	sld [smem:$0x3F9F]  }
0x1a: {  	s8 =	sadd.s32 $0xFFFFE003, lr  }
0x1b: {  	s9 =	sadd.s32 $0xFFFFFEF7, lr;
	s5 =	simm.s32 $0xFFFFFFFF;
	p2 =	slt.u32 s8, $0xFFFFF086  }
0x1c: {  	p1 =	slt.u32 s9, $0xF7A;
	s5 =	simm.s32 @!p2 $0x0  }
0x1d: {  	s5 =	simm.s32 @p1 $0x1;
	p0 =	seq.s32 s7, s2  }
0x1e: {  	s7 =	smul.u32 @!p0 $0xF7A, s2;
	p2 =	seq.s32 @!p0 s5, $0x0  }
0x1f: {  	s9 =	smul.u32 $0xF7A, s1;
	s8 =	simm.s32 @!p0 $0x1BF5;
	p2 =	por !p2, p0  }
0x20: {  	[sflag:s8] =	ssyncset.s32 @!p0 $0xFFFFF086;
	s6 =	sadd.s32 @!p0 s3, s7;
	s7 =	simm.s32 @!p0 $0x108  }
0x21: {  	s3 =	sadd.s32 s3, s9;
	s6 =	sadd.s32 @!p0 $0x88, s6;
	s7 =	simm.s32 @p2 $0x1082  }
0x22: {  	[simem:s7], [sflag:s8] =	dma.local @!p0 [hbm:s6], $0xF7A  }
0x23: {  	s9 =	sor.u32 $0xD0000000, s2;
	s6 =	simm.s32 $0x108;
	_ =	swait.ge @!p0 [sflag:s8], $0x0  }
0x24: {  	s3 =	sadd.s32 $0x88, s3;
	s6 =	simm.s32 @!p1 $0x1082;
	[sflag:s4] =	ssyncset.s32 $0xFFFFF086  }
0x25: {  	[simem:s6], [sflag:s4] =	dma.local [hbm:s3], $0xF7A  }
0x26: {  	[smem:$0x3F9F] =	sst s1;
	(tag) =	ssettag s2;
	_ =	strace s9  }
0x27: {  	s1 =	sld [smem:$0x3FAF]  }
0x28: {  	s2 =	sld [smem:$0x3FB0]  }
0x29: {  	s4 =	sld [smem:$0x3FB2]  }
0x2a: {  	p0 =	seq.s32 s5, $0x0;
	s5 =	sld [smem:$0x3FB3]  }
0x2b: {  	s6 =	sld [smem:$0x3FB4]  }
0x2c: {  	s7 =	sld [smem:$0x3FB5]  }
0x2d: {  	s3 =	simm.s32 $0x108;
	s8 =	sld [smem:$0x3FB6]  }
0x2e: {  	s3 =	simm.s32 @!p0 $0x1082;
	s9 =	sld [smem:$0x3FB7]  }
0x2f: {  	lr =	sadd.s32 s0, s3;
	s0 =	sld [smem:$0x3FAE]  }
0x30: {  	s3 =	sld [smem:$0x3FB1]  }
0x31: {  	[smem:$0x3FBA] =	sst s10  }
0x32: {  	s10 =	sld [smem:$0x3FB8];
	_ =	sdelay $0x3  }
0x33: {  	p0 =	seq.s32 s10, $0x1;
	s10 =	sld [smem:$0x3FBA];
	_ =	sdelay $0x3  }
0x34: {  	[smem:$0x3FBA] =	sst s10  }
0x35: {  	s10 =	sld [smem:$0x3FB9];
	_ =	sdelay $0x3  }
0x36: {  	p1 =	seq.s32 s10, $0x1;
	s10 =	sld [smem:$0x3FBA];
	_ =	sdelay $0x3  }
0x37: {  	[smem:$0x3FBA] =	sst s10  }
0x38: {  	s10 =	sld [smem:$0x3FBB]  }
0x39: {  	_ = 	snop;
	(pc) =	sbr.ind lr, $3  }
0x3a: {  	_ = 	snop  }
0x3b: {  	_ = 	snop  }
0x3c: {  	p2 =	seq.s32 s10, $0x1;
	s10 =	sld [smem:$0x3FBA]  }
0x3d: {  	_ =	shalt  }
0x3e: {  	_ =	shalt  }
0x3f: {  	_ =	shalt  }
0x40: {  	_ =	shalt  }
0x41: {  	_ =	shalt  }
0x42: {  	_ =	shalt  }
0x43: {  	_ =	shalt  }
0x44: {  	_ =	shalt  }
0x45: {  	_ =	shalt  }
0x46: {  	_ =	shalt  }
0x47: {  	_ =	shalt  }
0x48: {  	_ =	shalt  }
0x49: {  	_ =	shalt  }
0x4a: {  	_ =	shalt  }
0x4b: {  	_ =	shalt  }
0x4c: {  	_ =	shalt  }
0x4d: {  	_ =	shalt  }
0x4e: {  	_ =	shalt  }
0x4f: {  	_ =	shalt  }
0x50: {  	_ =	shalt  }
0x51: {  	_ =	shalt  }
0x52: {  	_ =	shalt  }
0x53: {  	_ =	shalt  }
0x54: {  	_ =	shalt  }
0x55: {  	_ =	shalt  }
0x56: {  	_ =	shalt  }
0x57: {  	_ =	shalt  }
0x58: {  	_ =	shalt  }
0x59: {  	_ =	shalt  }
0x5a: {  	_ =	shalt  }
0x5b: {  	_ =	shalt  }
0x5c: {  	_ =	shalt  }
0x5d: {  	_ =	shalt  }
0x5e: {  	_ =	shalt  }
0x5f: {  	_ =	shalt  }
0x60: {  	_ =	shalt  }
0x61: {  	_ =	shalt  }
0x62: {  	_ =	shalt  }
0x63: {  	_ =	shalt  }
0x64: {  	_ =	shalt  }
0x65: {  	_ =	shalt  }
0x66: {  	_ =	shalt  }
0x67: {  	_ =	shalt  }
0x68: {  	_ =	shalt  }
0x69: {  	_ =	shalt  }
0x6a: {  	_ =	shalt  }
0x6b: {  	_ =	shalt  }
0x6c: {  	_ =	shalt  }
0x6d: {  	_ =	shalt  }
0x6e: {  	_ =	shalt  }
0x6f: {  	_ =	shalt  }
0x70: {  	_ =	shalt  }
0x71: {  	_ =	shalt  }
0x72: {  	_ =	shalt  }
0x73: {  	_ =	shalt  }
0x74: {  	_ =	shalt  }
0x75: {  	_ =	shalt  }
0x76: {  	_ =	shalt  }
0x77: {  	_ =	shalt  }
0x78: {  	_ =	shalt  }
0x79: {  	_ =	shalt  }
0x7a: {  	_ =	shalt  }
0x7b: {  	_ =	shalt  }
0x7c: {  	_ =	shalt  }
0x7d: {  	_ =	shalt  }
0x7e: {  	_ =	shalt  }
0x7f: {  	_ =	shalt  }
0x80: {  	_ =	shalt  }
0x81: {  	_ =	shalt  }
0x82: {  	_ =	shalt  }
0x83: {  	_ =	shalt  }
0x84: {  	_ =	shalt  }
0x85: {  	_ =	shalt  }
0x86: {  	_ =	shalt  }
0x87: {  	_ =	shalt  }
.Lfunc_end0:
.L_simem_size_0:
called_computation_lowered:
.L_overlay_start_0:
0x88: {  	s2 =	sld [smem:$0x3FD9]  }
0x89: {  	s3 =	sld [smem:$0x3FFE];
	_ =	sdelay $0x1  }
0x8a: {  	s1 =	srdreg.scid  }
0x8b: {  	s0 =	sand.u32 $0x1, s1  }
0x8c: {  	s17 =	sshll.u32 s0, $0xA;
	s2 =	sadd.s32 s3, s2  }
0x8d: {  	s2 =	sadd.s32 s2, s17  }
0x8e: {  	[smem:$0x3FC6] =	sst s2  }
0x8f: {  	_ = 	snop  }
0x90: {  	s2 =	sld [smem:$0x3FD0];
	(tm) =	ssettm $0x1  }
0x91: {  	s18 =	sld [smem:$0x3FFB];
	_ =	sdelay $0x3  }
0x92: {  	_ =	strace s18  }
0x93: {  	s3 =	sld [smem:$0x3FFC];
	_ =	sdelay $0x3  }
0x94: {  	_ =	strace s3  }
0x95: {  	s3 =	sld [smem:$0x3FFD];
	_ =	sdelay $0x3  }
0x96: {  	_ =	strace s3  }
0x97: {  	_ =	strace $0x8FFFFFFF  }
0x98: {  	s19 =	sld [smem:$0x3FDB];
	_ =	sdelay $0x1  }
0x99: {  	s4 =	simm.s32 $_scs_section_size  }
0x9a: {  	s5 =	simm.s32 $_size__tile_overlayer_lowered;
	s6 =	simm.s32 $_tile_overlayer_lowered  }
0x9b: {  	s22 =	simm.s32 $0x1BFF;
	s21 =	sshll.u32 s6, $0x1;
	s3 =	sadd.s32 s4, s19  }
0x9c: {  	s7 =	simm.s32 $0x0;
	s20 =	sshll.u32 s5, $0x1;
	s5 =	sadd.s32 s21, s3  }
0x9d: {  	[timem:s7], [sflag:s22] =	dma.local [hbm:s5], s20  }
0x9e: {  	_ =	swait.ge [sflag:s22], s20  }
0x9f: {  	s4 =	ssub.s32 $0x0, s20;
	[sflag:s22] =	ssyncset.done $0x0  }
0xa0: {  	[sflag:s22] =	ssyncadd.s32 s4;
	_ =	sdelay $0x1  }
0xa1: {  	s23 =	simm.s32 $0x1B8B  }
0xa2: {  	_ =	swait.ge [sflag:s23], $0x1  }
0xa3: {  	[sflag:s23] =	ssyncset.done $0x0  }
0xa4: {  	s25 =	simm.s32 $0x1B8E;
	s24 =	sld [smem:$0x3FFE];
	[sflag:s23] =	ssyncadd.s32 $0xFFFFFFFF  }
0xa5: {  	s26 =	simm.s32 $execute0_lowered;
	[smem:$0x3FD2] =	sst s25  }
0xa6: {  	s5 =	sshll.u32 s26, $0x1;
	_ =	strace $0x80000046;
	[dreg:$0x1] =	wrdreg $0xFFFFFFFF  }
0xa7: {  	s28 =	simm.s32 $_size_execute0_lowered;
	s3 =	sadd.s32 s3, s5;
	[dreg:$0x0] =	wrdreg $0x0  }
0xa8: {  	s5 =	sshll.u32 s28, $0x1;
	[dreg:$0x2] =	wrdreg s3  }
0xa9: {  	[dreg:$0x3] =	wrdreg s5  }
0xaa: {  	[dreg:$0x4] =	wrdreg $0xC0  }
0xab: {  	_ =	task [dreg:s7], $0x5FFFF  }
0xac: {  	[dreg:$0x1] =	wrdreg $0xFFFFFFFF  }
0xad: {  	[dreg:$0x0] =	wrdreg $0x60  }
0xae: {  	[dreg:$0x2] =	wrdreg s24  }
0xaf: {  	[dreg:$0x3] =	wrdreg s2  }
0xb0: {  	[dreg:$0x4] =	wrdreg $0x9  }
0xb1: {  	_ =	task.clear_ibuf [dreg:s7], $0x5FFFF;
	_ =	strace $0x90000046  }
0xb2: {  	s29 =	simm.s32 $0x9;
	_ =	strace $0x80000048  }
0xb3: {  	_ =	swait.ge [sflag:s29], $0x1  }
0xb4: {  	[sflag:s29] =	ssyncadd.s32 $0xFFFFFFFF  }
0xb5: {  	_ =	strace $0x90000048  }
0xb6: {  	_ =	sfence  }
0xb7: {  	s30 =	sld [smem:$0x0];
	_ =	sdelay $0x2  }
0xb8: {  	s31 =	sshll.u32 s1, $0xD;
	s1 =	sshrl.u32 s1, $0x2  }
0xb9: {  	s3 =	sand.u32 $0x4000, s31;
	s1 =	sadd.s32 s1, s30  }
0xba: {  	s0 =	sor.u32 s3, s0;
	s1 =	sshll.u32 s1, $0x11  }
0xbb: {  	s0 =	sor.u32 s1, s0  }
0xbc: {  	s0 =	sadd.s32 $0x8F2B, s0  }
0xbd: {  	[sflag:s0] =	ssyncadd.remote.s32 $0x1  }
0xbe: {  	_ =	sfence.sel $0xFFFF  }
0xbf: {  	[dreg:$0x0] =	wrdreg $0xFFFFFFFF;
	(pc) =	sbr.abs _section_cstart, $3  }
0xc0: {  	[dreg:$0x1] =	wrdreg $0xFFFFFFFF  }
0xc1: {  	_ =	task.clear_ibuf [dreg:s7], $0x2FFFF;
	_ =	strace $0x9FFFFFFF  }
0xc2: {  	(tm) =	ssettm $0x7FFFFFFF  }
0xc3: {  	_ =	shalt  }
tec
execute0_lowered:
.L_overlay_start_1:
0x0: {  	(tag) =	ssettag $0x1  }
0x1: {  	s1 =	srdreg.scid;
	s2 =	rddreg [dreg:$0x0]  }
0x2: {  	s0 =	stileid.u32;
	s4 =	rddreg [dreg:$0x1];
	s6 =	sand.u32 $0x1, s1  }
0x3: {  	s3 =	simm.s32 $0x0;
	s5 =	sshll.u32 s0, $0x6;
	s7 =	sshll.u32 s6, $0x5  }
0x4: {  	[smem:$0x7FF] =	sst s3;
	s9 =	sor.u32 s7, s5  }
0x5: {  	s1 =	rddreg [dreg:$0x2];
	_ =	strace $0x80000047;
	s5 =	sshrl.u32 s9, $0x3  }
0x6: {  	s10 =	ssub.s32 $0x2, s6;
	s5 =	sadd.s32 s4, s5;
	s4 =	simm.s32 $0x2  }
0x7: {  	[tilespmem:s3], [sflag:$0x2] =	stream.linear.gather [hbm4b:s5+s3], $0x20, $0x38;
	[tilespmem:$0x1080] =	vst v63  }
0x8: {  	s8 =	simm.s32 $0x1;
	s11 =	sshrl.u32 s10, $0x1;
	_ =	swait.ge [sflag:s4], $0x20  }
0x9: {  	s6 =	simm.s32 $0x20;
	s10 =	ssub.s32 s10, s11;
	[sflag:s4] =	ssyncset.done $0x0  }
0xa: {  	s7 =	simm.s32 $0x80;
	s10 =	smax.u32 s10, $0x1;
	[sflag:s4] =	ssyncadd.s32 $0xFFFFFFE0  }
0xb: {  	[tilespmem:s7], [sflag:$0x1] =	stream.indirect.gather [hbm4b:s2+s6], $0x80, s3, s6, $0xb8;
	[tilespmem:$0x1080] =	vst v63  }
0xc: {  	s9 =	sshll.u32 s9, $0x4;
	p0 =	sne.s32 s10, $0x1;
	_ =	swait.ge [sflag:s8], $0x1000  }
.Ltmp0:
0xd: {  	s9 =	sadd.s32 s9, s2;
	[sflag:s8] =	ssyncset.done $0x0;
	(pc) =	sbr.rel @!p0 .LBB2_2-.Ltmp0, $4  }
0xe: {  	s9 =	sadd.s32 $0x4E200, s9;
	[sflag:s8] =	ssyncadd.s32 $0xFFFFF000  }
0xf: {  	[hbm4b:s9+s3] =	stream.linear.scatter [tilespmem:s7], [sflag:$0x2], $0x1000, $0x38;
	[tilespmem:$0x1080] =	vst v63  }
0x10: {  	_ =	swait.ge [sflag:s4], $0x1000  }
0x11: {  	s10 =	sadd.s32 $0xFFFFFFFF, s10;
	[sflag:s4] =	ssyncset.done $0x0  }
.LBB2_1:
0x12: {  	p0 =	sne.s32 s10, $0x1;
	s10 =	sadd.s32 $0xFFFFFFFF, s10;
	[sflag:s4] =	ssyncadd.s32 $0xFFFFF000  }
0x13: {  	[tilespmem:s3], [sflag:$0x2] =	stream.linear.gather [hbm4b:s5+s3], $0x20, $0x38;
	[tilespmem:$0x1080] =	vst v63  }
0x14: {  	_ =	swait.ge [sflag:s4], $0x20  }
0x15: {  	[sflag:s4] =	ssyncset.done $0x0  }
0x16: {  	[sflag:s4] =	ssyncadd.s32 $0xFFFFFFE0  }
0x17: {  	[tilespmem:s7], [sflag:$0x1] =	stream.indirect.gather [hbm4b:s2+s6], $0x80, s3, s6, $0xb8;
	[tilespmem:$0x1080] =	vst v63  }
0x18: {  	_ =	swait.ge [sflag:s8], $0x1000  }
.Ltmp1:
0x19: {  	[sflag:s8] =	ssyncset.done $0x0;
	(pc) =	sbr.rel @p0 .LBB2_1-.Ltmp1, $4  }
0x1a: {  	[sflag:s8] =	ssyncadd.s32 $0xFFFFF000  }
0x1b: {  	[hbm4b:s9+s3] =	stream.linear.scatter [tilespmem:s7], [sflag:$0x2], $0x1000, $0x38;
	[tilespmem:$0x1080] =	vst v63  }
0x1c: {  	_ =	swait.ge [sflag:s4], $0x1000  }
0x1d: {  	[sflag:s4] =	ssyncset.done $0x0  }
.LBB2_2:
0x1e: {  	[sflag:s4] =	ssyncadd.s32 $0xFFFFF000  }
0x1f: {  	_ =	sfence.sel $0x180000  }
0x20: {  	[bflag:$0x0] =	sbarrier.arrive $0xFFFF  }
0x21: {  	p0 =	sne.s32 s0, $0x0;
	_ =	strace $0x90000047  }
0x22: {  	s0 =	sadd.s32 @!p0 $0x100000, s1;
	[bflag:$0x2] =	sbarrier.arrive $0xFFFF  }
0x23: {  	[sflag:s0] =	ssyncadd.tile.s32 @!p0 $0x1;
	_ =	shalt  }
.Lfunc_end2:
_tile_overlayer_lowered:
.L_overlay_start_2:
0x24: {  	(tag) =	ssettag $0x2  }
0x25: {  	s0 =	rddreg [dreg:$0x0];
	s2 =	stileid.u32  }
0x26: {  	s1 =	rddreg [dreg:$0x1];
	p0 =	sne.s32 s2, $0x0  }
0x27: {  	s3 =	rddreg [dreg:$0x2];
	[bflag:$0x3] =	sbarrier.arrive $0xFFFF;
	s2 =	simm.s32 @!p0 $0x1C02  }
0x28: {  	[timem:s3], [sflag:s2] =	dma.local @!p0 [hbm:s0], s1  }
0x29: {  	s0 =	simm.s32 @!p0 $0x2  }
0x2a: {  	_ =	swait.ge @!p0 [sflag:s0], s1  }
0x2b: {  	s1 =	ssub.s32 @!p0 $0x0, s1;
	[sflag:s0] =	ssyncset.done @!p0 $0x0  }
0x2c: {  	[sflag:s0] =	ssyncadd.s32 @!p0 s1  }
0x2d: {  	[bflag:$0x3] =	sbarrier.arrive $0xFFFF  }
0x2e: {  	_ =	shalt  }

</sc_bundles>
